<compile_context>
chip_gen: v7x
topology: tpu7x:2x2x1
jax: 0.10.2.dev20260603
libtpu: 0.0.44.dev20260713+nightly
codegen_flags: <defaults>
</compile_context>

<pallas_src>
import functools

import jax
import jax.numpy as jnp
from jax import lax
from jax.experimental import pallas as pl
from jax.experimental.pallas import tpu as pltpu
from jax.experimental.pallas import tpu_sc as plsc

DIM = 512
N_ELEMENTS = 118
N_ELEM_PAD = 128
N_COUNT = 17
N_PAIR = N_ELEM_PAD * N_COUNT
BATCH = 4096
FORMULA_LEN = 16
TOKENS = BATCH * FORMULA_LEN
NUM_CORES = 2
NUM_SUBCORES = 16
NW = NUM_CORES * NUM_SUBCORES
TOK_PER_W = TOKENS // NW
CHUNK = 64
N_CHUNK = TOK_PER_W // CHUNK


def _pair_table_tc(elem_pad, count_table):
    def body(e_ref, c_ref, o_ref):
        o_ref[...] = e_ref[...][:, None, :] + c_ref[...][None, :, :]

    return pl.pallas_call(
        body,
        out_shape=jax.ShapeDtypeStruct((N_ELEM_PAD, N_COUNT, DIM), jnp.float32),
    )(elem_pad, count_table)


_SC_MESH = plsc.VectorSubcoreMesh(core_axis_name="c", subcore_axis_name="s")


@functools.partial(
    pl.kernel,
    out_type=jax.ShapeDtypeStruct((TOKENS, DIM), jnp.float32),
    mesh=_SC_MESH,
    scratch_types=[
        pltpu.VMEM((CHUNK,), jnp.int32),
        pltpu.VMEM((CHUNK,), jnp.int32),
        pltpu.VMEM((CHUNK,), jnp.int32),
        pltpu.VMEM((CHUNK, DIM), jnp.float32),
        pltpu.SemaphoreType.DMA,
    ],
)
def _sc_gather(pair_hbm, etok_hbm, ctok_hbm, out_hbm,
               ebuf, cbuf, pbuf, obuf, sem):
    cid = lax.axis_index("c")
    sid = lax.axis_index("s")
    wid = cid * NUM_SUBCORES + sid

    base = wid * TOK_PER_W

    def chunk_body(k, carry):
        off = base + k * CHUNK
        pltpu.sync_copy(etok_hbm.at[pl.ds(off, CHUNK)], ebuf)
        pltpu.sync_copy(ctok_hbm.at[pl.ds(off, CHUNK)], cbuf)
        for j in range(CHUNK // 16):
            sl = pl.ds(j * 16, 16)
            pbuf[sl] = ebuf[sl] * N_COUNT + cbuf[sl]
        pltpu.async_copy(pair_hbm.at[pbuf], obuf, sem).wait()
        pltpu.sync_copy(obuf, out_hbm.at[pl.ds(off, CHUNK)])
        return carry

    lax.fori_loop(0, N_CHUNK, chunk_body, 0)


def kernel(element_tokens, count_tokens, element_table, count_table):
    elem_pad = jnp.zeros((N_ELEM_PAD, DIM), jnp.float32).at[:N_ELEMENTS].set(
        element_table)
    pair = _pair_table_tc(elem_pad, count_table).reshape(N_PAIR, DIM)
    et = element_tokens.reshape(-1).astype(jnp.int32)
    ct = count_tokens.reshape(-1).astype(jnp.int32)
    out = _sc_gather(pair, et, ct)
    return out.reshape(BATCH, FORMULA_LEN, DIM)

# --- scband reference (transcript-rebuilt; emitter-appended) ---
"""Pipeline reference for scband-composition-embedding-85521388798604 (READ-ONLY COPY).

The authoritative reference and input builder live on the scoring server;
editing this copy changes nothing except your own understanding.
"""

import jax, jax.numpy as jnp
import numpy as np

DIM = 512
N_ELEMENTS = 118
MAX_COUNT = 16
BATCH = 4096
FORMULA_LEN = 16

def setup_inputs(seed: int = 0) -> dict:
    key = jax.random.key(seed)
    k1, k2, k3, k4 = jax.random.split(key, 4)
    element_tokens = jax.random.randint(k1, (BATCH, FORMULA_LEN), 0, N_ELEMENTS, dtype=jnp.int64 if jax.config.jax_enable_x64 else jnp.int32)
    count_tokens = jax.random.randint(k2, (BATCH, FORMULA_LEN), 0, MAX_COUNT + 1, dtype=jnp.int64 if jax.config.jax_enable_x64 else jnp.int32)
    element_table = jax.random.normal(k3, (N_ELEMENTS, DIM), dtype=jnp.float32)
    count_table = jax.random.normal(k4, (MAX_COUNT + 1, DIM), dtype=jnp.float32)
    return {
        'element_tokens': element_tokens,
        'count_tokens': count_tokens,
        'element_table': element_table,
        'count_table': count_table,
    }

def reference(element_tokens, count_tokens, element_table, count_table):
    # element_embedding = nn.Embedding(n_elements, dim)(element_tokens)
    element_embedding = jnp.take(element_table, element_tokens, axis=0)
    # count_embedding = nn.Embedding(max_count+1, dim)(count_tokens)
    count_embedding = jnp.take(count_table, count_tokens, axis=0)
    # use_electronic_config=False branch
    composition_embedding = element_embedding + count_embedding
    return composition_embedding

if __name__ == "__main__":
    import jax
    _d = setup_inputs()
    print(jax.jit(kernel)(*tuple(_d.values())))

</pallas_src>

<mosaic_0001>
#map = affine_map<(d0, d1) -> (0, 0)>
#map1 = affine_map<(d0, d1) -> (0)>
module attributes {stable_mosaic.version = 14 : i64} {
  func.func @_sc_gather(%arg0: i32, %arg1: i32, %arg2: memref<2176x512xf32, #tpu.memory_space<hbm>>, %arg3: memref<65536xi32, #tpu.memory_space<hbm>>, %arg4: memref<65536xi32, #tpu.memory_space<hbm>>, %arg5: memref<65536x512xf32, #tpu.memory_space<hbm>>, %arg6: memref<64xi32, #tpu.memory_space<vmem>>, %arg7: memref<64xi32, #tpu.memory_space<vmem>>, %arg8: memref<64xi32, #tpu.memory_space<vmem>>, %arg9: memref<64x512xf32, #tpu.memory_space<vmem>>, %arg10: memref<!tpu.dma_semaphore, #tpu.memory_space<semaphore_mem>>) attributes {dimension_semantics = [#tpu.dimension_semantics<core_parallel>, #tpu.dimension_semantics<subcore_parallel>], iteration_bounds = array<i64: 2, 16>, scalar_prefetch = 0 : i64, scratch_operands = 5 : i64, tpu.core_type = #tpu.core_type<sc_vector_subcore>, window_params = [{transform_indices = #map}, {transform_indices = #map1}, {transform_indices = #map1}, {transform_indices = #map}]} {
    %mul3A = arith.constant 16 : i32
    %mul3A_0 = arith.muli %arg0, %mul3A : i32
    %add3A = arith.addi %mul3A_0, %arg1 : i32
    %mul3A_1 = arith.constant 2048 : i32
    %mul3A_2 = arith.muli %add3A, %mul3A_1 : i32
    %scan3A = arith.constant 0 : i32
    %scan3A_3 = arith.constant 0 : i32
    %scan3A_4 = arith.constant 32 : i32
    %scan3A_5 = arith.addi %scan3A_3, %scan3A_4 : i32
    %scan3A_6 = arith.constant 1 : i32
    scf.for %scan3A_8 = %scan3A_3 to %scan3A_5 step %scan3A_6  : i32 {
      %mul3A_9 = arith.constant 64 : i32
      %mul3A_10 = arith.muli %scan3A_8, %mul3A_9 : i32
      %add3A_11 = arith.addi %mul3A_2, %mul3A_10 : i32
      "tpu.region"() ({
        %run_scoped3A = tpu.sem_alloc : memref<!tpu.dma_semaphore, #tpu.memory_space<semaphore_mem>>
        %dma_start3A_70 = tpu.memref_slice %arg3[%add3A_11] : memref<65536xi32, #tpu.memory_space<hbm>> -> memref<64xi32, #tpu.memory_space<hbm>>
        %dma_start3A_71 = tpu.memref_slice %arg3[%add3A_11] : memref<65536xi32, #tpu.memory_space<hbm>> -> memref<64xi32, #tpu.memory_space<hbm>>
        tpu.enqueue_dma source(%dma_start3A_71 : memref<64xi32, #tpu.memory_space<hbm>>) target(%arg6 : memref<64xi32, #tpu.memory_space<vmem>>) target_semaphore(%run_scoped3A : memref<!tpu.dma_semaphore, #tpu.memory_space<semaphore_mem>>)
        %dma_wait3A_72 = tpu.memref_slice %arg3[%add3A_11] : memref<65536xi32, #tpu.memory_space<hbm>> -> memref<64xi32, #tpu.memory_space<hbm>>
        %dma_wait3A_73 = tpu.memref_slice %arg3[%add3A_11] : memref<65536xi32, #tpu.memory_space<hbm>> -> memref<64xi32, #tpu.memory_space<hbm>>
        tpu.wait_dma2 semaphore(%run_scoped3A : memref<!tpu.dma_semaphore, #tpu.memory_space<semaphore_mem>>) src(%dma_wait3A_73 : memref<64xi32, #tpu.memory_space<hbm>>) dst(%arg6 : memref<64xi32, #tpu.memory_space<vmem>>)
        tpu.yield
      }) : () -> ()
      "tpu.region"() ({
        %run_scoped3A = tpu.sem_alloc : memref<!tpu.dma_semaphore, #tpu.memory_space<semaphore_mem>>
        %dma_start3A_70 = tpu.memref_slice %arg4[%add3A_11] : memref<65536xi32, #tpu.memory_space<hbm>> -> memref<64xi32, #tpu.memory_space<hbm>>
        %dma_start3A_71 = tpu.memref_slice %arg4[%add3A_11] : memref<65536xi32, #tpu.memory_space<hbm>> -> memref<64xi32, #tpu.memory_space<hbm>>
        tpu.enqueue_dma source(%dma_start3A_71 : memref<64xi32, #tpu.memory_space<hbm>>) target(%arg7 : memref<64xi32, #tpu.memory_space<vmem>>) target_semaphore(%run_scoped3A : memref<!tpu.dma_semaphore, #tpu.memory_space<semaphore_mem>>)
        %dma_wait3A_72 = tpu.memref_slice %arg4[%add3A_11] : memref<65536xi32, #tpu.memory_space<hbm>> -> memref<64xi32, #tpu.memory_space<hbm>>
        %dma_wait3A_73 = tpu.memref_slice %arg4[%add3A_11] : memref<65536xi32, #tpu.memory_space<hbm>> -> memref<64xi32, #tpu.memory_space<hbm>>
        tpu.wait_dma2 semaphore(%run_scoped3A : memref<!tpu.dma_semaphore, #tpu.memory_space<semaphore_mem>>) src(%dma_wait3A_73 : memref<64xi32, #tpu.memory_space<hbm>>) dst(%arg7 : memref<64xi32, #tpu.memory_space<vmem>>)
        tpu.yield
      }) : () -> ()
      %get3A = arith.constant 0 : index
      %get3A_12 = tpu.vector_load %arg6[%get3A] {strides = array<i32>} : memref<64xi32, #tpu.memory_space<vmem>>, vector<16xi32>,
      %get3A_13 = vector.shape_cast %get3A_12 : vector<16xi32> to vector<16xi32>
      %mul3A_14 = arith.constant 17 : i32
      %mul3A_15 = vector.broadcast %mul3A_14 : i32 to vector<16xi32>
      %mul3A_16 = arith.muli %get3A_13, %mul3A_15 : vector<16xi32>
      %get3A_17 = arith.constant 0 : index
      %get3A_18 = tpu.vector_load %arg7[%get3A_17] {strides = array<i32>} : memref<64xi32, #tpu.memory_space<vmem>>, vector<16xi32>,
      %get3A_19 = vector.shape_cast %get3A_18 : vector<16xi32> to vector<16xi32>
      %add3A_20 = arith.addi %mul3A_16, %get3A_19 : vector<16xi32>
      %swap3A = arith.constant 0 : index
      %swap3A_21 = tpu.vector_load %arg8[%swap3A] {strides = array<i32>} : memref<64xi32, #tpu.memory_space<vmem>>, vector<16xi32>,
      %swap3A_22 = vector.shape_cast %swap3A_21 : vector<16xi32> to vector<16xi32>
      %swap3A_23 = vector.shape_cast %add3A_20 : vector<16xi32> to vector<16xi32>
      tpu.vector_store %arg8[%swap3A], %swap3A_23 {strides = array<i32>} : memref<64xi32, #tpu.memory_space<vmem>>, vector<16xi32>,
      %get3A_24 = arith.constant 16 : index
      %get3A_25 = tpu.vector_load %arg6[%get3A_24] {strides = array<i32>} : memref<64xi32, #tpu.memory_space<vmem>>, vector<16xi32>,
      %get3A_26 = vector.shape_cast %get3A_25 : vector<16xi32> to vector<16xi32>
      %mul3A_27 = arith.constant 17 : i32
      %mul3A_28 = vector.broadcast %mul3A_27 : i32 to vector<16xi32>
      %mul3A_29 = arith.muli %get3A_26, %mul3A_28 : vector<16xi32>
      %get3A_30 = arith.constant 16 : index
      %get3A_31 = tpu.vector_load %arg7[%get3A_30] {strides = array<i32>} : memref<64xi32, #tpu.memory_space<vmem>>, vector<16xi32>,
      %get3A_32 = vector.shape_cast %get3A_31 : vector<16xi32> to vector<16xi32>
      %add3A_33 = arith.addi %mul3A_29, %get3A_32 : vector<16xi32>
      %swap3A_34 = arith.constant 16 : index
      %swap3A_35 = tpu.vector_load %arg8[%swap3A_34] {strides = array<i32>} : memref<64xi32, #tpu.memory_space<vmem>>, vector<16xi32>,
      %swap3A_36 = vector.shape_cast %swap3A_35 : vector<16xi32> to vector<16xi32>
      %swap3A_37 = vector.shape_cast %add3A_33 : vector<16xi32> to vector<16xi32>
      tpu.vector_store %arg8[%swap3A_34], %swap3A_37 {strides = array<i32>} : memref<64xi32, #tpu.memory_space<vmem>>, vector<16xi32>,
      %get3A_38 = arith.constant 32 : index
      %get3A_39 = tpu.vector_load %arg6[%get3A_38] {strides = array<i32>} : memref<64xi32, #tpu.memory_space<vmem>>, vector<16xi32>,
      %get3A_40 = vector.shape_cast %get3A_39 : vector<16xi32> to vector<16xi32>
      %mul3A_41 = arith.constant 17 : i32
      %mul3A_42 = vector.broadcast %mul3A_41 : i32 to vector<16xi32>
      %mul3A_43 = arith.muli %get3A_40, %mul3A_42 : vector<16xi32>
      %get3A_44 = arith.constant 32 : index
      %get3A_45 = tpu.vector_load %arg7[%get3A_44] {strides = array<i32>} : memref<64xi32, #tpu.memory_space<vmem>>, vector<16xi32>,
      %get3A_46 = vector.shape_cast %get3A_45 : vector<16xi32> to vector<16xi32>
      %add3A_47 = arith.addi %mul3A_43, %get3A_46 : vector<16xi32>
      %swap3A_48 = arith.constant 32 : index
      %swap3A_49 = tpu.vector_load %arg8[%swap3A_48] {strides = array<i32>} : memref<64xi32, #tpu.memory_space<vmem>>, vector<16xi32>,
      %swap3A_50 = vector.shape_cast %swap3A_49 : vector<16xi32> to vector<16xi32>
      %swap3A_51 = vector.shape_cast %add3A_47 : vector<16xi32> to vector<16xi32>
      tpu.vector_store %arg8[%swap3A_48], %swap3A_51 {strides = array<i32>} : memref<64xi32, #tpu.memory_space<vmem>>, vector<16xi32>,
      %get3A_52 = arith.constant 48 : index
      %get3A_53 = tpu.vector_load %arg6[%get3A_52] {strides = array<i32>} : memref<64xi32, #tpu.memory_space<vmem>>, vector<16xi32>,
      %get3A_54 = vector.shape_cast %get3A_53 : vector<16xi32> to vector<16xi32>
      %mul3A_55 = arith.constant 17 : i32
      %mul3A_56 = vector.broadcast %mul3A_55 : i32 to vector<16xi32>
      %mul3A_57 = arith.muli %get3A_54, %mul3A_56 : vector<16xi32>
      %get3A_58 = arith.constant 48 : index
      %get3A_59 = tpu.vector_load %arg7[%get3A_58] {strides = array<i32>} : memref<64xi32, #tpu.memory_space<vmem>>, vector<16xi32>,
      %get3A_60 = vector.shape_cast %get3A_59 : vector<16xi32> to vector<16xi32>
      %add3A_61 = arith.addi %mul3A_57, %get3A_60 : vector<16xi32>
      %swap3A_62 = arith.constant 48 : index
      %swap3A_63 = tpu.vector_load %arg8[%swap3A_62] {strides = array<i32>} : memref<64xi32, #tpu.memory_space<vmem>>, vector<16xi32>,
      %swap3A_64 = vector.shape_cast %swap3A_63 : vector<16xi32> to vector<16xi32>
      %swap3A_65 = vector.shape_cast %add3A_61 : vector<16xi32> to vector<16xi32>
      tpu.vector_store %arg8[%swap3A_62], %swap3A_65 {strides = array<i32>} : memref<64xi32, #tpu.memory_space<vmem>>, vector<16xi32>,
      %dma_start3A = arith.constant 0 : i32
      %dma_start3A_66 = arith.constant 0 : i32
      %dma_start3A_67 = tpu.memref_slice %arg2[%dma_start3A, %dma_start3A_66] : memref<2176x512xf32, #tpu.memory_space<hbm>> -> memref<2176x512xf32, #tpu.memory_space<hbm>>
      tpu.enqueue_indirect_dma source(%dma_start3A_67 : memref<2176x512xf32, #tpu.memory_space<hbm>>) target(%arg9 : memref<64x512xf32, #tpu.memory_space<vmem>>) offsets(%arg8 : memref<64xi32, #tpu.memory_space<vmem>>) semaphore(%arg10 : memref<!tpu.dma_semaphore, #tpu.memory_space<semaphore_mem>>)
      %dma_wait3A = arith.constant 0 : i32
      %dma_wait3A_68 = arith.constant 0 : i32
      %dma_wait3A_69 = tpu.memref_slice %arg2[%dma_wait3A, %dma_wait3A_68] : memref<2176x512xf32, #tpu.memory_space<hbm>> -> memref<2176x512xf32, #tpu.memory_space<hbm>>
      tpu.wait_indirect_dma semaphore(%arg10 : memref<!tpu.dma_semaphore, #tpu.memory_space<semaphore_mem>>) src(%dma_wait3A_69 : memref<2176x512xf32, #tpu.memory_space<hbm>>) dst(%arg9 : memref<64x512xf32, #tpu.memory_space<vmem>>)
      "tpu.region"() ({
        %run_scoped3A = tpu.sem_alloc : memref<!tpu.dma_semaphore, #tpu.memory_space<semaphore_mem>>
        %dma_start3A_70 = arith.constant 0 : i32
        %dma_start3A_71 = tpu.memref_slice %arg5[%add3A_11, %dma_start3A_70] : memref<65536x512xf32, #tpu.memory_space<hbm>> -> memref<64x512xf32, #tpu.memory_space<hbm>>
        %dma_start3A_72 = arith.constant 0 : i32
        %dma_start3A_73 = tpu.memref_slice %arg5[%add3A_11, %dma_start3A_72] : memref<65536x512xf32, #tpu.memory_space<hbm>> -> memref<64x512xf32, #tpu.memory_space<hbm>>
        tpu.enqueue_dma source(%arg9 : memref<64x512xf32, #tpu.memory_space<vmem>>) target(%dma_start3A_73 : memref<64x512xf32, #tpu.memory_space<hbm>>) target_semaphore(%run_scoped3A : memref<!tpu.dma_semaphore, #tpu.memory_space<semaphore_mem>>)
        %dma_wait3A_74 = arith.constant 0 : i32
        %dma_wait3A_75 = tpu.memref_slice %arg5[%add3A_11, %dma_wait3A_74] : memref<65536x512xf32, #tpu.memory_space<hbm>> -> memref<64x512xf32, #tpu.memory_space<hbm>>
        %dma_wait3A_76 = arith.constant 0 : i32
        %dma_wait3A_77 = tpu.memref_slice %arg5[%add3A_11, %dma_wait3A_76] : memref<65536x512xf32, #tpu.memory_space<hbm>> -> memref<64x512xf32, #tpu.memory_space<hbm>>
        tpu.wait_dma2 semaphore(%run_scoped3A : memref<!tpu.dma_semaphore, #tpu.memory_space<semaphore_mem>>) src(%arg9 : memref<64x512xf32, #tpu.memory_space<vmem>>) dst(%dma_wait3A_77 : memref<64x512xf32, #tpu.memory_space<hbm>>)
        tpu.yield
      }) : () -> ()
    }
    %scan3A_7 = arith.constant 32 : i32
    return
  }
}

module attributes {stable_mosaic.version = 14 : i64} {
  func.func @body(%arg0: memref<128x512xf32, #tpu.memory_space<vmem>>, %arg1: memref<17x512xf32, #tpu.memory_space<vmem>>, %arg2: memref<128x17x512xf32, #tpu.memory_space<vmem>>) attributes {dimension_semantics = [], scalar_prefetch = 0 : i64, scratch_operands = 0 : i64, tpu.core_type = #tpu.core_type<tc>} {
    %get3A = arith.constant 0 : index
    %get3A_0 = arith.constant 0 : index
    %get3A_1 = vector.load %arg0[%get3A, %get3A_0] : memref<128x512xf32, #tpu.memory_space<vmem>>, vector<128x512xf32>
    %broadcast_in_dim3A = vector.shape_cast %get3A_1 : vector<128x512xf32> to vector<128x1x512xf32>
    %get3A_2 = arith.constant 0 : index
    %get3A_3 = arith.constant 0 : index
    %get3A_4 = vector.load %arg1[%get3A_2, %get3A_3] : memref<17x512xf32, #tpu.memory_space<vmem>>, vector<17x512xf32>
    %broadcast_in_dim3A_5 = vector.shape_cast %get3A_4 : vector<17x512xf32> to vector<1x17x512xf32>
    %add3A = vector.broadcast %broadcast_in_dim3A : vector<128x1x512xf32> to vector<128x17x512xf32>
    %add3A_6 = vector.broadcast %broadcast_in_dim3A_5 : vector<1x17x512xf32> to vector<128x17x512xf32>
    %add3A_7 = arith.addf %add3A, %add3A_6 : vector<128x17x512xf32>
    %swap3A = arith.constant 0 : index
    %swap3A_8 = arith.constant 0 : index
    %swap3A_9 = arith.constant 0 : index
    %swap3A_10 = vector.load %arg2[%swap3A, %swap3A_8, %swap3A_9] : memref<128x17x512xf32, #tpu.memory_space<vmem>>, vector<128x17x512xf32>
    tpu.vector_store %arg2[%swap3A, %swap3A_8, %swap3A_9], %add3A_7 {strides = array<i32>} : memref<128x17x512xf32, #tpu.memory_space<vmem>>, vector<128x17x512xf32>,
    return
  }
}

</mosaic_0001>

<sc_bundles>
// kernel: kernel.4.cloned.1.call-start
scs
__scs_entry_jumppad:
0x0: {  	(pc) =	sbr.rel $0x88, $3  }
0x1: {  	(tag) =	ssettag $0x0;
	lr =	simm.s32 $0x1  }
0x2: {  	[smem:$0x3F9D] =	sst lr;
	_ =	strace $0xD0000000  }
0x3: {  	_ = 	snop  }
0x4: {  	_ = 	snop  }
0x5: {  	_ = 	snop  }
0x6: {  	_ = 	snop  }
0x7: {  	_ = 	snop  }
__scs_overlays_trampoline_lowered:
0x8: {  	[smem:$0x3FAC] =	sst s0  }
0x9: {  	[smem:$0x3FAD] =	sst s1  }
0xa: {  	[smem:$0x3FAE] =	sst s2  }
0xb: {  	[smem:$0x3FAF] =	sst s3  }
0xc: {  	[smem:$0x3FB0] =	sst s4  }
0xd: {  	[smem:$0x3FB1] =	sst s5  }
0xe: {  	[smem:$0x3FB2] =	sst s6  }
0xf: {  	[smem:$0x3FB3] =	sst s7  }
0x10: {  	[smem:$0x3FB4] =	sst s8  }
0x11: {  	[smem:$0x3FB5] =	sst s9;
	s0 =	simm.s32 @!p0 $0x0  }
0x12: {  	s1 =	sld [smem:$0x3F9B];
	s0 =	simm.s32 @p0 $0x1  }
0x13: {  	[smem:$0x3FB6] =	sst s0;
	s0 =	simm.s32 @!p1 $0x0  }
0x14: {  	s2 =	sld [smem:$0x3F9A];
	s0 =	simm.s32 @p1 $0x1  }
0x15: {  	[smem:$0x3FB7] =	sst s0;
	s0 =	simm.s32 @!p2 $0x0  }
0x16: {  	s3 =	sld [smem:$0x3FDB];
	s0 =	simm.s32 @p2 $0x1  }
0x17: {  	s4 =	simm.s32 $0x1BF5;
	[smem:$0x3FB9] =	sst s0  }
0x18: {  	s0 =	sld [smem:$0x3F9C];
	_ =	swait.ge [sflag:s4], $0x0  }
0x19: {  	s7 =	sld [smem:$0x3F9D]  }
0x1a: {  	s8 =	sadd.s32 $0xFFFFE003, lr  }
0x1b: {  	s9 =	sadd.s32 $0xFFFFFEF7, lr;
	s5 =	simm.s32 $0xFFFFFFFF;
	p2 =	slt.u32 s8, $0xFFFFF086  }
0x1c: {  	p1 =	slt.u32 s9, $0xF7A;
	s5 =	simm.s32 @!p2 $0x0  }
0x1d: {  	s5 =	simm.s32 @p1 $0x1;
	p0 =	seq.s32 s7, s2  }
0x1e: {  	s7 =	smul.u32 @!p0 $0xF7A, s2;
	p2 =	seq.s32 @!p0 s5, $0x0  }
0x1f: {  	s9 =	smul.u32 $0xF7A, s1;
	s8 =	simm.s32 @!p0 $0x1BF5;
	p2 =	por !p2, p0  }
0x20: {  	[sflag:s8] =	ssyncset.s32 @!p0 $0xFFFFF086;
	s6 =	sadd.s32 @!p0 s3, s7;
	s7 =	simm.s32 @!p0 $0x108  }
0x21: {  	s3 =	sadd.s32 s3, s9;
	s6 =	sadd.s32 @!p0 $0x88, s6;
	s7 =	simm.s32 @p2 $0x1082  }
0x22: {  	[simem:s7], [sflag:s8] =	dma.local @!p0 [hbm:s6], $0xF7A  }
0x23: {  	s9 =	sor.u32 $0xD0000000, s2;
	s6 =	simm.s32 $0x108;
	_ =	swait.ge @!p0 [sflag:s8], $0x0  }
0x24: {  	s3 =	sadd.s32 $0x88, s3;
	s6 =	simm.s32 @!p1 $0x1082;
	[sflag:s4] =	ssyncset.s32 $0xFFFFF086  }
0x25: {  	[simem:s6], [sflag:s4] =	dma.local [hbm:s3], $0xF7A  }
0x26: {  	[smem:$0x3F9D] =	sst s1;
	(tag) =	ssettag s2;
	_ =	strace s9  }
0x27: {  	s1 =	sld [smem:$0x3FAD]  }
0x28: {  	s2 =	sld [smem:$0x3FAE]  }
0x29: {  	s4 =	sld [smem:$0x3FB0]  }
0x2a: {  	p0 =	seq.s32 s5, $0x0;
	s5 =	sld [smem:$0x3FB1]  }
0x2b: {  	s6 =	sld [smem:$0x3FB2]  }
0x2c: {  	s7 =	sld [smem:$0x3FB3]  }
0x2d: {  	s3 =	simm.s32 $0x108;
	s8 =	sld [smem:$0x3FB4]  }
0x2e: {  	s3 =	simm.s32 @!p0 $0x1082;
	s9 =	sld [smem:$0x3FB5]  }
0x2f: {  	lr =	sadd.s32 s0, s3;
	s0 =	sld [smem:$0x3FAC]  }
0x30: {  	s3 =	sld [smem:$0x3FAF]  }
0x31: {  	[smem:$0x3FB8] =	sst s10  }
0x32: {  	s10 =	sld [smem:$0x3FB6];
	_ =	sdelay $0x3  }
0x33: {  	p0 =	seq.s32 s10, $0x1;
	s10 =	sld [smem:$0x3FB8];
	_ =	sdelay $0x3  }
0x34: {  	[smem:$0x3FB8] =	sst s10  }
0x35: {  	s10 =	sld [smem:$0x3FB7];
	_ =	sdelay $0x3  }
0x36: {  	p1 =	seq.s32 s10, $0x1;
	s10 =	sld [smem:$0x3FB8];
	_ =	sdelay $0x3  }
0x37: {  	[smem:$0x3FB8] =	sst s10  }
0x38: {  	s10 =	sld [smem:$0x3FB9]  }
0x39: {  	_ = 	snop;
	(pc) =	sbr.ind lr, $3  }
0x3a: {  	_ = 	snop  }
0x3b: {  	_ = 	snop  }
0x3c: {  	p2 =	seq.s32 s10, $0x1;
	s10 =	sld [smem:$0x3FB8]  }
0x3d: {  	_ =	shalt  }
0x3e: {  	_ =	shalt  }
0x3f: {  	_ =	shalt  }
0x40: {  	_ =	shalt  }
0x41: {  	_ =	shalt  }
0x42: {  	_ =	shalt  }
0x43: {  	_ =	shalt  }
0x44: {  	_ =	shalt  }
0x45: {  	_ =	shalt  }
0x46: {  	_ =	shalt  }
0x47: {  	_ =	shalt  }
0x48: {  	_ =	shalt  }
0x49: {  	_ =	shalt  }
0x4a: {  	_ =	shalt  }
0x4b: {  	_ =	shalt  }
0x4c: {  	_ =	shalt  }
0x4d: {  	_ =	shalt  }
0x4e: {  	_ =	shalt  }
0x4f: {  	_ =	shalt  }
0x50: {  	_ =	shalt  }
0x51: {  	_ =	shalt  }
0x52: {  	_ =	shalt  }
0x53: {  	_ =	shalt  }
0x54: {  	_ =	shalt  }
0x55: {  	_ =	shalt  }
0x56: {  	_ =	shalt  }
0x57: {  	_ =	shalt  }
0x58: {  	_ =	shalt  }
0x59: {  	_ =	shalt  }
0x5a: {  	_ =	shalt  }
0x5b: {  	_ =	shalt  }
0x5c: {  	_ =	shalt  }
0x5d: {  	_ =	shalt  }
0x5e: {  	_ =	shalt  }
0x5f: {  	_ =	shalt  }
0x60: {  	_ =	shalt  }
0x61: {  	_ =	shalt  }
0x62: {  	_ =	shalt  }
0x63: {  	_ =	shalt  }
0x64: {  	_ =	shalt  }
0x65: {  	_ =	shalt  }
0x66: {  	_ =	shalt  }
0x67: {  	_ =	shalt  }
0x68: {  	_ =	shalt  }
0x69: {  	_ =	shalt  }
0x6a: {  	_ =	shalt  }
0x6b: {  	_ =	shalt  }
0x6c: {  	_ =	shalt  }
0x6d: {  	_ =	shalt  }
0x6e: {  	_ =	shalt  }
0x6f: {  	_ =	shalt  }
0x70: {  	_ =	shalt  }
0x71: {  	_ =	shalt  }
0x72: {  	_ =	shalt  }
0x73: {  	_ =	shalt  }
0x74: {  	_ =	shalt  }
0x75: {  	_ =	shalt  }
0x76: {  	_ =	shalt  }
0x77: {  	_ =	shalt  }
0x78: {  	_ =	shalt  }
0x79: {  	_ =	shalt  }
0x7a: {  	_ =	shalt  }
0x7b: {  	_ =	shalt  }
0x7c: {  	_ =	shalt  }
0x7d: {  	_ =	shalt  }
0x7e: {  	_ =	shalt  }
0x7f: {  	_ =	shalt  }
0x80: {  	_ =	shalt  }
0x81: {  	_ =	shalt  }
0x82: {  	_ =	shalt  }
0x83: {  	_ =	shalt  }
0x84: {  	_ =	shalt  }
0x85: {  	_ =	shalt  }
0x86: {  	_ =	shalt  }
0x87: {  	_ =	shalt  }
.Lfunc_end0:
.L_simem_size_0:
called_computation_lowered:
.L_overlay_start_0:
0x88: {  	s2 =	sld [smem:$0x3FD9]  }
0x89: {  	s3 =	sld [smem:$0x3FFE];
	_ =	sdelay $0x1  }
0x8a: {  	s1 =	srdreg.scid  }
0x8b: {  	s0 =	sand.u32 $0x1, s1  }
0x8c: {  	s17 =	sshll.u32 s0, $0xA;
	s2 =	sadd.s32 s3, s2  }
0x8d: {  	s2 =	sadd.s32 s2, s17  }
0x8e: {  	[smem:$0x3FC4] =	sst s2  }
0x8f: {  	_ = 	snop  }
0x90: {  	s2 =	sld [smem:$0x3FD0];
	(tm) =	ssettm $0x1  }
0x91: {  	s18 =	sld [smem:$0x3FFB];
	_ =	sdelay $0x3  }
0x92: {  	_ =	strace s18  }
0x93: {  	s3 =	sld [smem:$0x3FFC];
	_ =	sdelay $0x3  }
0x94: {  	_ =	strace s3  }
0x95: {  	s3 =	sld [smem:$0x3FFD];
	_ =	sdelay $0x3  }
0x96: {  	_ =	strace s3  }
0x97: {  	_ =	strace $0x8FFFFFFF  }
0x98: {  	s19 =	sld [smem:$0x3FDB];
	_ =	sdelay $0x1  }
0x99: {  	s4 =	simm.s32 $_scs_section_size  }
0x9a: {  	s5 =	simm.s32 $_size__tile_overlayer_lowered;
	s6 =	simm.s32 $_tile_overlayer_lowered  }
0x9b: {  	s22 =	simm.s32 $0x1BFF;
	s21 =	sshll.u32 s6, $0x1;
	s3 =	sadd.s32 s4, s19  }
0x9c: {  	s7 =	simm.s32 $0x0;
	s20 =	sshll.u32 s5, $0x1;
	s5 =	sadd.s32 s21, s3  }
0x9d: {  	[timem:s7], [sflag:s22] =	dma.local [hbm:s5], s20  }
0x9e: {  	_ =	swait.ge [sflag:s22], s20  }
0x9f: {  	s4 =	ssub.s32 $0x0, s20;
	[sflag:s22] =	ssyncset.done $0x0  }
0xa0: {  	[sflag:s22] =	ssyncadd.s32 s4;
	_ =	sdelay $0x1  }
0xa1: {  	s23 =	simm.s32 $0x1B8B  }
0xa2: {  	_ =	swait.ge [sflag:s23], $0x1  }
0xa3: {  	[sflag:s23] =	ssyncset.done $0x0  }
0xa4: {  	s25 =	simm.s32 $0x1B8E;
	s24 =	sld [smem:$0x3FFE];
	[sflag:s23] =	ssyncadd.s32 $0xFFFFFFFF  }
0xa5: {  	s26 =	simm.s32 $execute0_lowered;
	[smem:$0x3FD2] =	sst s25  }
0xa6: {  	s5 =	sshll.u32 s26, $0x1;
	_ =	strace $0x80000046;
	[dreg:$0x1] =	wrdreg $0xFFFFFFFF  }
0xa7: {  	s28 =	simm.s32 $_size_execute0_lowered;
	s3 =	sadd.s32 s3, s5;
	[dreg:$0x0] =	wrdreg $0x0  }
0xa8: {  	s5 =	sshll.u32 s28, $0x1;
	[dreg:$0x2] =	wrdreg s3  }
0xa9: {  	[dreg:$0x3] =	wrdreg s5  }
0xaa: {  	[dreg:$0x4] =	wrdreg $0xC0  }
0xab: {  	_ =	task [dreg:s7], $0x5FFFF  }
0xac: {  	[dreg:$0x1] =	wrdreg $0xFFFFFFFF  }
0xad: {  	[dreg:$0x0] =	wrdreg $0x60  }
0xae: {  	[dreg:$0x2] =	wrdreg s24  }
0xaf: {  	[dreg:$0x3] =	wrdreg s2  }
0xb0: {  	[dreg:$0x4] =	wrdreg $0x9  }
0xb1: {  	_ =	task.clear_ibuf [dreg:s7], $0x5FFFF;
	_ =	strace $0x90000046  }
0xb2: {  	s29 =	simm.s32 $0x9;
	_ =	strace $0x80000048  }
0xb3: {  	_ =	swait.ge [sflag:s29], $0x1  }
0xb4: {  	[sflag:s29] =	ssyncadd.s32 $0xFFFFFFFF  }
0xb5: {  	_ =	strace $0x90000048  }
0xb6: {  	_ =	sfence  }
0xb7: {  	s30 =	sld [smem:$0x0];
	_ =	sdelay $0x2  }
0xb8: {  	s31 =	sshll.u32 s1, $0xD;
	s1 =	sshrl.u32 s1, $0x2  }
0xb9: {  	s3 =	sand.u32 $0x4000, s31;
	s1 =	sadd.s32 s1, s30  }
0xba: {  	s0 =	sor.u32 s3, s0;
	s1 =	sshll.u32 s1, $0x11  }
0xbb: {  	s0 =	sor.u32 s1, s0  }
0xbc: {  	s0 =	sadd.s32 $0x8F2B, s0  }
0xbd: {  	[sflag:s0] =	ssyncadd.remote.s32 $0x1  }
0xbe: {  	_ =	sfence.sel $0xFFFF  }
0xbf: {  	[dreg:$0x0] =	wrdreg $0xFFFFFFFF;
	(pc) =	sbr.abs _section_cstart, $3  }
0xc0: {  	[dreg:$0x1] =	wrdreg $0xFFFFFFFF  }
0xc1: {  	_ =	task.clear_ibuf [dreg:s7], $0x2FFFF;
	_ =	strace $0x9FFFFFFF  }
0xc2: {  	(tm) =	ssettm $0x7FFFFFFF  }
0xc3: {  	_ =	shalt  }
tec
execute0_lowered:
.L_overlay_start_1:
0x0: {  	(tag) =	ssettag $0x1  }
0x1: {  	s4 =	rddreg [dreg:$0x0]  }
0x2: {  	s5 =	rddreg [dreg:$0x1];
	s3 =	srdreg.scid  }
0x3: {  	s2 =	simm.s32 $0x0;
	s1 =	stileid.u32;
	s11 =	simm.s32 $0x180  }
0x4: {  	s12 =	simm.s32 $0x980;
	s13 =	simm.s32 $0x1180;
	s14 =	simm.s32 $0x1980  }
0x5: {  	s15 =	simm.s32 $0x2180;
	s16 =	simm.s32 $0x2980;
	s17 =	simm.s32 $0x3180  }
0x6: {  	s18 =	simm.s32 $0x3980;
	s19 =	simm.s32 $0x4180;
	s20 =	simm.s32 $0x4980  }
0x7: {  	s21 =	simm.s32 $0x5180;
	s22 =	simm.s32 $0x5980;
	s23 =	simm.s32 $0x6180  }
0x8: {  	s24 =	simm.s32 $0x6980;
	s25 =	simm.s32 $0x7180;
	s26 =	simm.s32 $0x7980  }
0x9: {  	s28 =	simm.s32 $0x1;
	s29 =	simm.s32 $0x0;
	s6 =	sand.u32 $0x1, s3  }
0xa: {  	[smem:$0x7FF] =	sst s2;
	s7 =	sshll.u32 s1, $0xB;
	s31 =	sshll.u32 s1, $0x11  }
0xb: {  	s3 =	sshll.u32 s6, $0xF;
	_ =	strace $0x80000047;
	s8 =	ssub.s32 $0x2, s6  }
0xc: {  	s6 =	sshll.u32 s6, $0x15;
	s7 =	sor.u32 s7, s3;
	s3 =	sadd.s32 $0x4A00, s4  }
0xd: {  	s9 =	sshrl.u32 s8, $0x1;
	s6 =	sadd.s32 s6, s5;
	s7 =	sshrl.u32 s7, $0x3  }
0xe: {  	v2 =	vlaneseq.u32;
	s30 =	ssub.s32 s8, s9;
	s6 =	sadd.s32 s31, s6;
	s9 =	simm.s32 $0x2  }
0xf: {  	vm0 =	vmmov $0xffff;
	v1 =	vshrl.u32 v2, $0x3;
	s10 =	sadd.s32 s7, s4;
	s4 =	sadd.s32 $0x4B00, s4;
	s5 =	smax.u32 s30, $0x1  }
0x10: {  	v0 =	vand.u32 $0x7, v2;
	v2 =	vor.u32 $0x8, v2;
	v1 =	vmul.u32 $0x8, v1;
	s7 =	sadd.s32 $0x2A00, s10;
	s8 =	sadd.s32 $0xA00, s10;
	s10 =	simm.s32 $0x80  }
.LBB2_1:
0x11: {  	s30 =	smov.u32 s6;
	s31 =	simm.s32 $0x0  }
.LBB2_2:
0x12: {  	s0 =	sadd.s32 s31, s8  }
0x13: {  	[tilespmem:s2], [sflag:$0x2] =	stream.linear.gather [hbm4b:s0+s2], $0x40, $0x38;
	[tilespmem:$0x8180] =	vst v63  }
0x14: {  	_ =	swait.ge [sflag:s9], $0x40  }
0x15: {  	[sflag:s9] =	ssyncset.done $0x0  }
0x16: {  	s0 =	sadd.s32 s31, s7;
	[sflag:s9] =	ssyncadd.s32 $0xFFFFFFC0  }
0x17: {  	[tilespmem:s10], [sflag:$0x2] =	stream.linear.gather [hbm4b:s0+s2], $0x40, $0x38;
	[tilespmem:$0x8180] =	vst v63  }
0x18: {  	_ =	swait.ge [sflag:s9], $0x40  }
0x19: {  	[sflag:s9] =	ssyncset.done $0x0  }
0x1a: {  	[sflag:s9] =	ssyncadd.s32 $0xFFFFFFC0  }
0x1b: {  	v3 =	vld [tilespmem:$0x0];
	_ =	sdelay $0x1  }
0x1c: {  	v4 =	vld [tilespmem:$0x80];
	_ =	sdelay $0x2  }
0x1d: {  	v3 =	vmul.u32 $0x11, v3  }
0x1e: {  	v5 =	vld [tilespmem:$0x10]  }
0x1f: {  	v57 =	vld [tilespmem:$0x90];
	v3 =	vadd.s32 v4, v3  }
0x20: {  	v6 =	vld [tilespmem:$0x20];
	v7 =	vshll.u32 v3, $0x2  }
0x21: {  	v8 =	vld [tilespmem:$0x30];
	v9 =	vand.u32 $0x7, v3;
	v7 =	vand.u32 $0xFFFFFFE0, v7  }
0x22: {  	v10 =	vld [tilespmem:$0xA0];
	v7 =	vor.u32 v9, v7  }
0x23: {  	v58 =	vld [tilespmem:$0xB0];
	v11 =	vperm.xlane v7, v0  }
0x24: {  	v5 =	vmul.u32 $0x11, v5  }
0x25: {  	v6 =	vmul.u32 $0x11, v6;
	v11 =	vadd.s32 v1, v11  }
0x26: {  	v59 =	vmul.u32 $0x11, v8;
	[tilespmem:$0x100] =	vst v3;
	v3 =	vadd.s32 v57, v5  }
0x27: {  	[tilespmem:$0x110] =	vst v3;
	v3 =	vadd.s32 v10, v6;
	v60 =	vperm.xlane v7, v2  }
0x28: {  	[tilespmem:$0x120] =	vst v3;
	v3 =	vadd.s32 v58, v59  }
0x29: {  	[tilespmem:$0x130] =	vst v3;
	v3 =	vadd.s32 v1, v60  }
0x2a: {  	[tilespmem:s11], [sflag:$0x1] =	stream.indirect_vreg.gather [hbm4b:s3+s2], $0x80, v11, vm0, $0xb8;
	[tilespmem:$0x8180] =	vst v63  }
0x2b: {  	_ = 	snop  }
0x2c: {  	[tilespmem:s12], [sflag:$0x1] =	stream.indirect_vreg.gather [hbm4b:s4+s2], $0x80, v11, vm0, $0xb8;
	[tilespmem:$0x8180] =	vst v63  }
0x2d: {  	_ = 	snop  }
0x2e: {  	[tilespmem:s13], [sflag:$0x1] =	stream.indirect_vreg.gather [hbm4b:s3+s2], $0x80, v3, vm0, $0xb8;
	[tilespmem:$0x8180] =	vst v63  }
0x2f: {  	_ = 	snop  }
0x30: {  	[tilespmem:s14], [sflag:$0x1] =	stream.indirect_vreg.gather [hbm4b:s4+s2], $0x80, v3, vm0, $0xb8;
	[tilespmem:$0x8180] =	vst v63  }
0x31: {  	v3 =	vld [tilespmem:$0x110];
	_ =	sdelay $0x4  }
0x32: {  	v61 =	vshll.u32 v3, $0x2  }
0x33: {  	v3 =	vand.u32 $0x7, v3;
	v4 =	vand.u32 $0xFFFFFFE0, v61  }
0x34: {  	v3 =	vor.u32 v3, v4  }
0x35: {  	v4 =	vperm.xlane v3, v0;
	_ =	sdelay $0x1  }
0x36: {  	v4 =	vadd.s32 v1, v4;
	_ =	sdelay $0x1  }
0x37: {  	v3 =	vperm.xlane v3, v2;
	_ =	sdelay $0x1  }
0x38: {  	v3 =	vadd.s32 v1, v3  }
0x39: {  	[tilespmem:s15], [sflag:$0x1] =	stream.indirect_vreg.gather [hbm4b:s3+s2], $0x80, v4, vm0, $0xb8;
	[tilespmem:$0x8180] =	vst v63  }
0x3a: {  	_ = 	snop  }
0x3b: {  	[tilespmem:s16], [sflag:$0x1] =	stream.indirect_vreg.gather [hbm4b:s4+s2], $0x80, v4, vm0, $0xb8;
	[tilespmem:$0x8180] =	vst v63  }
0x3c: {  	_ = 	snop  }
0x3d: {  	[tilespmem:s17], [sflag:$0x1] =	stream.indirect_vreg.gather [hbm4b:s3+s2], $0x80, v3, vm0, $0xb8;
	[tilespmem:$0x8180] =	vst v63  }
0x3e: {  	_ = 	snop  }
0x3f: {  	[tilespmem:s18], [sflag:$0x1] =	stream.indirect_vreg.gather [hbm4b:s4+s2], $0x80, v3, vm0, $0xb8;
	[tilespmem:$0x8180] =	vst v63  }
0x40: {  	v3 =	vld [tilespmem:$0x120];
	_ =	sdelay $0x4  }
0x41: {  	v62 =	vshll.u32 v3, $0x2  }
0x42: {  	v3 =	vand.u32 $0x7, v3;
	v4 =	vand.u32 $0xFFFFFFE0, v62  }
0x43: {  	v3 =	vor.u32 v3, v4  }
0x44: {  	v4 =	vperm.xlane v3, v0;
	_ =	sdelay $0x1  }
0x45: {  	v4 =	vadd.s32 v1, v4;
	_ =	sdelay $0x1  }
0x46: {  	v3 =	vperm.xlane v3, v2;
	_ =	sdelay $0x1  }
0x47: {  	v3 =	vadd.s32 v1, v3  }
0x48: {  	[tilespmem:s19], [sflag:$0x1] =	stream.indirect_vreg.gather [hbm4b:s3+s2], $0x80, v4, vm0, $0xb8;
	[tilespmem:$0x8180] =	vst v63  }
0x49: {  	_ = 	snop  }
0x4a: {  	[tilespmem:s20], [sflag:$0x1] =	stream.indirect_vreg.gather [hbm4b:s4+s2], $0x80, v4, vm0, $0xb8;
	[tilespmem:$0x8180] =	vst v63  }
0x4b: {  	_ = 	snop  }
0x4c: {  	[tilespmem:s21], [sflag:$0x1] =	stream.indirect_vreg.gather [hbm4b:s3+s2], $0x80, v3, vm0, $0xb8;
	[tilespmem:$0x8180] =	vst v63  }
0x4d: {  	_ = 	snop  }
0x4e: {  	[tilespmem:s22], [sflag:$0x1] =	stream.indirect_vreg.gather [hbm4b:s4+s2], $0x80, v3, vm0, $0xb8;
	[tilespmem:$0x8180] =	vst v63  }
0x4f: {  	v3 =	vld [tilespmem:$0x130];
	_ =	sdelay $0x4  }
0x50: {  	v63 =	vshll.u32 v3, $0x2  }
0x51: {  	v3 =	vand.u32 $0x7, v3;
	v4 =	vand.u32 $0xFFFFFFE0, v63  }
0x52: {  	v3 =	vor.u32 v3, v4  }
0x53: {  	v4 =	vperm.xlane v3, v0;
	_ =	sdelay $0x1  }
0x54: {  	v4 =	vadd.s32 v1, v4;
	_ =	sdelay $0x1  }
0x55: {  	v3 =	vperm.xlane v3, v2;
	_ =	sdelay $0x1  }
0x56: {  	v3 =	vadd.s32 v1, v3  }
0x57: {  	[tilespmem:s23], [sflag:$0x1] =	stream.indirect_vreg.gather [hbm4b:s3+s2], $0x80, v4, vm0, $0xb8;
	[tilespmem:$0x8180] =	vst v63  }
0x58: {  	_ = 	snop  }
0x59: {  	[tilespmem:s24], [sflag:$0x1] =	stream.indirect_vreg.gather [hbm4b:s4+s2], $0x80, v4, vm0, $0xb8;
	[tilespmem:$0x8180] =	vst v63  }
0x5a: {  	_ = 	snop  }
0x5b: {  	[tilespmem:s25], [sflag:$0x1] =	stream.indirect_vreg.gather [hbm4b:s3+s2], $0x80, v3, vm0, $0xb8;
	[tilespmem:$0x8180] =	vst v63  }
0x5c: {  	_ = 	snop  }
0x5d: {  	[tilespmem:s26], [sflag:$0x1] =	stream.indirect_vreg.gather [hbm4b:s4+s2], $0x80, v3, vm0, $0xb8;
	[tilespmem:$0x8180] =	vst v63  }
0x5e: {  	_ =	swait.ge [sflag:s28], $0x8000  }
0x5f: {  	p0 =	sne.s32 s31, $0xF8;
	[sflag:s28] =	ssyncset.done $0x0  }
.Ltmp0:
0x60: {  	[sflag:s28] =	ssyncadd.s32 $0xFFFF8000;
	(pc) =	sbr.rel @p0 .LBB2_2-.Ltmp0, $4  }
0x61: {  	[hbm4b:s30+s2] =	stream.linear.scatter [tilespmem:s11], [sflag:$0x2], $0x8000, $0x38;
	[tilespmem:$0x8180] =	vst v63  }
0x62: {  	_ =	swait.ge [sflag:s9], $0x8000  }
0x63: {  	[sflag:s9] =	ssyncset.done $0x0  }
0x64: {  	s31 =	sadd.s32 $0x8, s31;
	s30 =	sadd.s32 $0x1000, s30;
	[sflag:s9] =	ssyncadd.s32 $0xFFFF8000  }
0x65: {  	s29 =	sadd.s32 $0x1, s29  }
0x66: {  	p0 =	sne.s32 s29, s5  }
.Ltmp1:
0x67: {  	_ = 	snop;
	(pc) =	sbr.rel @p0 .LBB2_1-.Ltmp1, $1  }
0x68: {  	_ =	sdelay $0x3  }
0x69: {  	_ =	sfence.sel $0x180000  }
0x6a: {  	[bflag:$0x0] =	sbarrier.arrive $0xFFFF  }
0x6b: {  	_ =	strace $0x90000047  }
0x6c: {  	[bflag:$0x2] =	sbarrier.arrive $0xFFFF  }
0x6d: {  	p0 =	sne.s32 s1, $0x0;
	s0 =	rddreg [dreg:$0x2]  }
0x6e: {  	s0 =	sadd.s32 @!p0 $0x100000, s0  }
0x6f: {  	[sflag:s0] =	ssyncadd.tile.s32 @!p0 $0x1;
	_ =	shalt  }
.Lfunc_end2:
_tile_overlayer_lowered:
.L_overlay_start_2:
0x70: {  	(tag) =	ssettag $0x2  }
0x71: {  	s0 =	rddreg [dreg:$0x0];
	s2 =	stileid.u32  }
0x72: {  	s1 =	rddreg [dreg:$0x1];
	p0 =	sne.s32 s2, $0x0  }
0x73: {  	s3 =	rddreg [dreg:$0x2];
	[bflag:$0x3] =	sbarrier.arrive $0xFFFF;
	s2 =	simm.s32 @!p0 $0x1C02  }
0x74: {  	[timem:s3], [sflag:s2] =	dma.local @!p0 [hbm:s0], s1  }
0x75: {  	s0 =	simm.s32 @!p0 $0x2  }
0x76: {  	_ =	swait.ge @!p0 [sflag:s0], s1  }
0x77: {  	s1 =	ssub.s32 @!p0 $0x0, s1;
	[sflag:s0] =	ssyncset.done @!p0 $0x0  }
0x78: {  	[sflag:s0] =	ssyncadd.s32 @!p0 s1  }
0x79: {  	[bflag:$0x3] =	sbarrier.arrive $0xFFFF  }
0x7a: {  	_ =	shalt  }

</sc_bundles>
